<compile_context>
chip_gen: v7x
topology: tpu7x:2x2x1
jax: 0.10.2.dev20260603
libtpu: 0.0.44.dev20260713+nightly
codegen_flags: <defaults>
</compile_context>

<pallas_src>
import functools

import jax
import jax.numpy as jnp
from jax import lax
from jax.experimental import pallas as pl
from jax.experimental.pallas import tpu as pltpu
from jax.experimental.pallas import tpu_sc as plsc

_COLS = 1_000_000
_CH = 512
_NCH = 1953
_SLOTS = 8
_K = 8
_L = 6


def _sc_copy(xt):
    mesh = plsc.VectorSubcoreMesh(core_axis_name="c", subcore_axis_name="s")

    @functools.partial(
        pl.kernel,
        mesh=mesh,
        out_type=jax.ShapeDtypeStruct(xt.shape, xt.dtype),
        scratch_types=[
            pltpu.VMEM((_K, 8, _CH), jnp.float32),
            pltpu.SemaphoreType.DMA((_K,)),
            pltpu.SemaphoreType.DMA((_K,)),
        ],
        compiler_params=pltpu.CompilerParams(use_tc_tiling_on_sc=True),
    )
    def copy_kernel(in_hbm, out_hbm, bufs, rsem, wsem):
        nc = 2
        wid = lax.axis_index("s") * nc + lax.axis_index("c")
        g = lax.rem(wid, 4)
        l = lax.div(wid, 4)
        row0 = pl.multiple_of(g * 8, 8)
        n_j = jnp.where(l == 0, (_NCH + _SLOTS - 1) // _SLOTS,
                        _NCH // _SLOTS)

        def col(j):
            return pl.multiple_of((l + _SLOTS * j) * _CH, 128)

        def rd(j, s):
            return pltpu.make_async_copy(
                in_hbm.at[pl.ds(row0, 8), pl.ds(col(j), _CH)],
                bufs.at[s], rsem.at[s])

        def wr(j, s):
            return pltpu.make_async_copy(
                bufs.at[s], out_hbm.at[pl.ds(row0, 8), pl.ds(col(j), _CH)],
                wsem.at[s])

        for j in range(_L):
            rd(jnp.int32(j), j).start()

        def body(j, _):
            s = lax.rem(j, _K)
            rd(j, s).wait()
            wr(j, s).start()
            jn = j + _L
            sn = lax.rem(jn, _K)

            @pl.when(jnp.logical_and(jn < n_j, jn >= _K))
            def _():
                wr(jn - _K, sn).wait()

            @pl.when(jn < n_j)
            def _():
                rd(jn, sn).start()

            return 0

        lax.fori_loop(0, n_j, body, 0)

        def drain(j, _):
            wr(j, lax.rem(j, _K)).wait()
            return 0

        lax.fori_loop(n_j - _K, n_j, drain, 0)

    return copy_kernel(xt)


def _edge_block(in_ref, alias_ref, out_ref):
    del alias_ref
    out_ref[...] = in_ref[...]


def _tc_edge_patch(xt, partial):
    spec = pl.BlockSpec((32, 128), lambda i: (0, _COLS // 128))
    return pl.pallas_call(
        _edge_block,
        grid=(1,),
        in_specs=[spec, pl.BlockSpec(memory_space=pl.ANY)],
        out_specs=spec,
        out_shape=jax.ShapeDtypeStruct(xt.shape, xt.dtype),
        input_output_aliases={1: 0},
    )(xt, partial)


def kernel(item_emb):
    xt = item_emb.T
    out_t = _tc_edge_patch(xt, _sc_copy(xt))
    return out_t.T

# --- scband reference (transcript-rebuilt; emitter-appended) ---
"""Pipeline reference for scband-item-module-4818953306883 (READ-ONLY COPY).

The authoritative reference and input builder live on the scoring server;
editing this copy changes nothing except your own understanding.
"""

import jax, jax.numpy as jnp
import numpy as np

ITEM_NUM = 1000000
EMB_SIZE = 32

def _xavier_uniform(key, shape, dtype=jnp.float32):
    fan_in, fan_out = shape[0], shape[1]
    limit = float(np.sqrt(6.0 / (fan_in + fan_out)))
    return jax.random.uniform(key, shape, dtype=dtype, minval=-limit, maxval=limit)

def setup_inputs(seed: int = 0) -> dict:
    key = jax.random.key(seed)
    item_emb = _xavier_uniform(key, (ITEM_NUM, EMB_SIZE))
    return {"item_emb": item_emb}

def reference(item_emb):
    # The original module's forward simply returns the embedding parameter dict;
    # the faithful JAX translation returns the embedding table itself.
    return item_emb

if __name__ == "__main__":
    import jax
    _d = setup_inputs()
    print(jax.jit(kernel)(*tuple(_d.values())))

</pallas_src>

<mosaic_0001>
#map = affine_map<(d0, d1) -> (0, 0)>
module attributes {stable_mosaic.version = 14 : i64} {
  func.func @copy_kernel(%arg0: i32, %arg1: i32, %arg2: memref<32x1000000xf32, #tpu.memory_space<hbm>>, %arg3: memref<32x1000000xf32, #tpu.memory_space<hbm>>, %arg4: memref<8x8x512xf32, #tpu.memory_space<vmem>>, %arg5: memref<8x!tpu.dma_semaphore, #tpu.memory_space<semaphore_mem>>, %arg6: memref<8x!tpu.dma_semaphore, #tpu.memory_space<semaphore_mem>>) attributes {dimension_semantics = [#tpu.dimension_semantics<core_parallel>, #tpu.dimension_semantics<subcore_parallel>], iteration_bounds = array<i64: 2, 16>, scalar_prefetch = 0 : i64, scratch_operands = 3 : i64, tpu.core_type = #tpu.core_type<sc_vector_subcore>, window_params = [{transform_indices = #map}, {transform_indices = #map}]} {
    %mul3A = arith.constant 2 : i32
    %mul3A_0 = arith.muli %arg1, %mul3A : i32
    %add3A = arith.addi %mul3A_0, %arg0 : i32
    %rem3A = arith.constant 4 : i32
    %rem3A_1 = arith.remsi %add3A, %rem3A : i32
    %div3A = arith.constant 4 : i32
    %div3A_2 = arith.divsi %add3A, %div3A : i32
    %mul3A_3 = arith.constant 8 : i32
    %mul3A_4 = arith.muli %rem3A_1, %mul3A_3 : i32
    %multiple_of3A = tpu.assume_multiple %mul3A_4, 8 : i32
    %eq3A = arith.constant 0 : i32
    %eq3A_5 = arith.cmpi eq, %div3A_2, %eq3A : i32
    %jit3A = arith.constant 245 : i32
    %jit3A_6 = arith.constant 244 : i32
    %select_n3A = arith.select %eq3A_5, %jit3A, %jit3A_6 : i32
    %mul3A_7 = arith.constant 8 : i32
    %mul3A_8 = arith.constant 0 : i32
    %mul3A_9 = arith.muli %mul3A_7, %mul3A_8 : i32
    %add3A_10 = arith.addi %div3A_2, %mul3A_9 : i32
    %mul3A_11 = arith.constant 512 : i32
    %mul3A_12 = arith.muli %add3A_10, %mul3A_11 : i32
    %multiple_of3A_13 = tpu.assume_multiple %mul3A_12, 128 : i32
    %dma_start3A = arith.constant 0 : i32
    %dma_start3A_14 = arith.constant 0 : i32
    %dma_start3A_15 = arith.constant 0 : i32
    %dma_start3A_16 = arith.constant 0 : i32
    %dma_start3A_17 = tpu.memref_slice %arg4[%dma_start3A, %dma_start3A_15, %dma_start3A_16] : memref<8x8x512xf32, #tpu.memory_space<vmem>> -> memref<1x8x512xf32, #tpu.memory_space<vmem>>
    %dma_start3A_18 = tpu.memref_squeeze %dma_start3A_17 : memref<1x8x512xf32, #tpu.memory_space<vmem>> -> memref<8x512xf32, #tpu.memory_space<vmem>>
    %dma_start3A_19 = tpu.memref_slice %arg2[%multiple_of3A, %multiple_of3A_13] : memref<32x1000000xf32, #tpu.memory_space<hbm>> -> memref<8x512xf32, #tpu.memory_space<hbm>>
    %dma_start3A_20 = tpu.memref_slice %arg5[%dma_start3A_14] : memref<8x!tpu.dma_semaphore, #tpu.memory_space<semaphore_mem>> -> memref<1x!tpu.dma_semaphore, #tpu.memory_space<semaphore_mem>>
    %dma_start3A_21 = tpu.memref_squeeze %dma_start3A_20 : memref<1x!tpu.dma_semaphore, #tpu.memory_space<semaphore_mem>> -> memref<!tpu.dma_semaphore, #tpu.memory_space<semaphore_mem>>
    %dma_start3A_22 = arith.constant 0 : i32
    %dma_start3A_23 = arith.constant 0 : i32
    %dma_start3A_24 = tpu.memref_slice %arg4[%dma_start3A, %dma_start3A_22, %dma_start3A_23] : memref<8x8x512xf32, #tpu.memory_space<vmem>> -> memref<1x8x512xf32, #tpu.memory_space<vmem>>
    %dma_start3A_25 = tpu.memref_squeeze %dma_start3A_24 : memref<1x8x512xf32, #tpu.memory_space<vmem>> -> memref<8x512xf32, #tpu.memory_space<vmem>>
    %dma_start3A_26 = tpu.memref_slice %arg2[%multiple_of3A, %multiple_of3A_13] : memref<32x1000000xf32, #tpu.memory_space<hbm>> -> memref<8x512xf32, #tpu.memory_space<hbm>>
    tpu.enqueue_dma source(%dma_start3A_26 : memref<8x512xf32, #tpu.memory_space<hbm>>) target(%dma_start3A_25 : memref<8x512xf32, #tpu.memory_space<vmem>>) target_semaphore(%dma_start3A_21 : memref<!tpu.dma_semaphore, #tpu.memory_space<semaphore_mem>>)
    %mul3A_27 = arith.constant 8 : i32
    %mul3A_28 = arith.constant 1 : i32
    %mul3A_29 = arith.muli %mul3A_27, %mul3A_28 : i32
    %add3A_30 = arith.addi %div3A_2, %mul3A_29 : i32
    %mul3A_31 = arith.constant 512 : i32
    %mul3A_32 = arith.muli %add3A_30, %mul3A_31 : i32
    %multiple_of3A_33 = tpu.assume_multiple %mul3A_32, 128 : i32
    %dma_start3A_34 = arith.constant 1 : i32
    %dma_start3A_35 = arith.constant 1 : i32
    %dma_start3A_36 = arith.constant 0 : i32
    %dma_start3A_37 = arith.constant 0 : i32
    %dma_start3A_38 = tpu.memref_slice %arg4[%dma_start3A_34, %dma_start3A_36, %dma_start3A_37] : memref<8x8x512xf32, #tpu.memory_space<vmem>> -> memref<1x8x512xf32, #tpu.memory_space<vmem>>
    %dma_start3A_39 = tpu.memref_squeeze %dma_start3A_38 : memref<1x8x512xf32, #tpu.memory_space<vmem>> -> memref<8x512xf32, #tpu.memory_space<vmem>>
    %dma_start3A_40 = tpu.memref_slice %arg2[%multiple_of3A, %multiple_of3A_33] : memref<32x1000000xf32, #tpu.memory_space<hbm>> -> memref<8x512xf32, #tpu.memory_space<hbm>>
    %dma_start3A_41 = tpu.memref_slice %arg5[%dma_start3A_35] : memref<8x!tpu.dma_semaphore, #tpu.memory_space<semaphore_mem>> -> memref<1x!tpu.dma_semaphore, #tpu.memory_space<semaphore_mem>>
    %dma_start3A_42 = tpu.memref_squeeze %dma_start3A_41 : memref<1x!tpu.dma_semaphore, #tpu.memory_space<semaphore_mem>> -> memref<!tpu.dma_semaphore, #tpu.memory_space<semaphore_mem>>
    %dma_start3A_43 = arith.constant 0 : i32
    %dma_start3A_44 = arith.constant 0 : i32
    %dma_start3A_45 = tpu.memref_slice %arg4[%dma_start3A_34, %dma_start3A_43, %dma_start3A_44] : memref<8x8x512xf32, #tpu.memory_space<vmem>> -> memref<1x8x512xf32, #tpu.memory_space<vmem>>
    %dma_start3A_46 = tpu.memref_squeeze %dma_start3A_45 : memref<1x8x512xf32, #tpu.memory_space<vmem>> -> memref<8x512xf32, #tpu.memory_space<vmem>>
    %dma_start3A_47 = tpu.memref_slice %arg2[%multiple_of3A, %multiple_of3A_33] : memref<32x1000000xf32, #tpu.memory_space<hbm>> -> memref<8x512xf32, #tpu.memory_space<hbm>>
    tpu.enqueue_dma source(%dma_start3A_47 : memref<8x512xf32, #tpu.memory_space<hbm>>) target(%dma_start3A_46 : memref<8x512xf32, #tpu.memory_space<vmem>>) target_semaphore(%dma_start3A_42 : memref<!tpu.dma_semaphore, #tpu.memory_space<semaphore_mem>>)
    %mul3A_48 = arith.constant 8 : i32
    %mul3A_49 = arith.constant 2 : i32
    %mul3A_50 = arith.muli %mul3A_48, %mul3A_49 : i32
    %add3A_51 = arith.addi %div3A_2, %mul3A_50 : i32
    %mul3A_52 = arith.constant 512 : i32
    %mul3A_53 = arith.muli %add3A_51, %mul3A_52 : i32
    %multiple_of3A_54 = tpu.assume_multiple %mul3A_53, 128 : i32
    %dma_start3A_55 = arith.constant 2 : i32
    %dma_start3A_56 = arith.constant 2 : i32
    %dma_start3A_57 = arith.constant 0 : i32
    %dma_start3A_58 = arith.constant 0 : i32
    %dma_start3A_59 = tpu.memref_slice %arg4[%dma_start3A_55, %dma_start3A_57, %dma_start3A_58] : memref<8x8x512xf32, #tpu.memory_space<vmem>> -> memref<1x8x512xf32, #tpu.memory_space<vmem>>
    %dma_start3A_60 = tpu.memref_squeeze %dma_start3A_59 : memref<1x8x512xf32, #tpu.memory_space<vmem>> -> memref<8x512xf32, #tpu.memory_space<vmem>>
    %dma_start3A_61 = tpu.memref_slice %arg2[%multiple_of3A, %multiple_of3A_54] : memref<32x1000000xf32, #tpu.memory_space<hbm>> -> memref<8x512xf32, #tpu.memory_space<hbm>>
    %dma_start3A_62 = tpu.memref_slice %arg5[%dma_start3A_56] : memref<8x!tpu.dma_semaphore, #tpu.memory_space<semaphore_mem>> -> memref<1x!tpu.dma_semaphore, #tpu.memory_space<semaphore_mem>>
    %dma_start3A_63 = tpu.memref_squeeze %dma_start3A_62 : memref<1x!tpu.dma_semaphore, #tpu.memory_space<semaphore_mem>> -> memref<!tpu.dma_semaphore, #tpu.memory_space<semaphore_mem>>
    %dma_start3A_64 = arith.constant 0 : i32
    %dma_start3A_65 = arith.constant 0 : i32
    %dma_start3A_66 = tpu.memref_slice %arg4[%dma_start3A_55, %dma_start3A_64, %dma_start3A_65] : memref<8x8x512xf32, #tpu.memory_space<vmem>> -> memref<1x8x512xf32, #tpu.memory_space<vmem>>
    %dma_start3A_67 = tpu.memref_squeeze %dma_start3A_66 : memref<1x8x512xf32, #tpu.memory_space<vmem>> -> memref<8x512xf32, #tpu.memory_space<vmem>>
    %dma_start3A_68 = tpu.memref_slice %arg2[%multiple_of3A, %multiple_of3A_54] : memref<32x1000000xf32, #tpu.memory_space<hbm>> -> memref<8x512xf32, #tpu.memory_space<hbm>>
    tpu.enqueue_dma source(%dma_start3A_68 : memref<8x512xf32, #tpu.memory_space<hbm>>) target(%dma_start3A_67 : memref<8x512xf32, #tpu.memory_space<vmem>>) target_semaphore(%dma_start3A_63 : memref<!tpu.dma_semaphore, #tpu.memory_space<semaphore_mem>>)
    %mul3A_69 = arith.constant 8 : i32
    %mul3A_70 = arith.constant 3 : i32
    %mul3A_71 = arith.muli %mul3A_69, %mul3A_70 : i32
    %add3A_72 = arith.addi %div3A_2, %mul3A_71 : i32
    %mul3A_73 = arith.constant 512 : i32
    %mul3A_74 = arith.muli %add3A_72, %mul3A_73 : i32
    %multiple_of3A_75 = tpu.assume_multiple %mul3A_74, 128 : i32
    %dma_start3A_76 = arith.constant 3 : i32
    %dma_start3A_77 = arith.constant 3 : i32
    %dma_start3A_78 = arith.constant 0 : i32
    %dma_start3A_79 = arith.constant 0 : i32
    %dma_start3A_80 = tpu.memref_slice %arg4[%dma_start3A_76, %dma_start3A_78, %dma_start3A_79] : memref<8x8x512xf32, #tpu.memory_space<vmem>> -> memref<1x8x512xf32, #tpu.memory_space<vmem>>
    %dma_start3A_81 = tpu.memref_squeeze %dma_start3A_80 : memref<1x8x512xf32, #tpu.memory_space<vmem>> -> memref<8x512xf32, #tpu.memory_space<vmem>>
    %dma_start3A_82 = tpu.memref_slice %arg2[%multiple_of3A, %multiple_of3A_75] : memref<32x1000000xf32, #tpu.memory_space<hbm>> -> memref<8x512xf32, #tpu.memory_space<hbm>>
    %dma_start3A_83 = tpu.memref_slice %arg5[%dma_start3A_77] : memref<8x!tpu.dma_semaphore, #tpu.memory_space<semaphore_mem>> -> memref<1x!tpu.dma_semaphore, #tpu.memory_space<semaphore_mem>>
    %dma_start3A_84 = tpu.memref_squeeze %dma_start3A_83 : memref<1x!tpu.dma_semaphore, #tpu.memory_space<semaphore_mem>> -> memref<!tpu.dma_semaphore, #tpu.memory_space<semaphore_mem>>
    %dma_start3A_85 = arith.constant 0 : i32
    %dma_start3A_86 = arith.constant 0 : i32
    %dma_start3A_87 = tpu.memref_slice %arg4[%dma_start3A_76, %dma_start3A_85, %dma_start3A_86] : memref<8x8x512xf32, #tpu.memory_space<vmem>> -> memref<1x8x512xf32, #tpu.memory_space<vmem>>
    %dma_start3A_88 = tpu.memref_squeeze %dma_start3A_87 : memref<1x8x512xf32, #tpu.memory_space<vmem>> -> memref<8x512xf32, #tpu.memory_space<vmem>>
    %dma_start3A_89 = tpu.memref_slice %arg2[%multiple_of3A, %multiple_of3A_75] : memref<32x1000000xf32, #tpu.memory_space<hbm>> -> memref<8x512xf32, #tpu.memory_space<hbm>>
    tpu.enqueue_dma source(%dma_start3A_89 : memref<8x512xf32, #tpu.memory_space<hbm>>) target(%dma_start3A_88 : memref<8x512xf32, #tpu.memory_space<vmem>>) target_semaphore(%dma_start3A_84 : memref<!tpu.dma_semaphore, #tpu.memory_space<semaphore_mem>>)
    %mul3A_90 = arith.constant 8 : i32
    %mul3A_91 = arith.constant 4 : i32
    %mul3A_92 = arith.muli %mul3A_90, %mul3A_91 : i32
    %add3A_93 = arith.addi %div3A_2, %mul3A_92 : i32
    %mul3A_94 = arith.constant 512 : i32
    %mul3A_95 = arith.muli %add3A_93, %mul3A_94 : i32
    %multiple_of3A_96 = tpu.assume_multiple %mul3A_95, 128 : i32
    %dma_start3A_97 = arith.constant 4 : i32
    %dma_start3A_98 = arith.constant 4 : i32
    %dma_start3A_99 = arith.constant 0 : i32
    %dma_start3A_100 = arith.constant 0 : i32
    %dma_start3A_101 = tpu.memref_slice %arg4[%dma_start3A_97, %dma_start3A_99, %dma_start3A_100] : memref<8x8x512xf32, #tpu.memory_space<vmem>> -> memref<1x8x512xf32, #tpu.memory_space<vmem>>
    %dma_start3A_102 = tpu.memref_squeeze %dma_start3A_101 : memref<1x8x512xf32, #tpu.memory_space<vmem>> -> memref<8x512xf32, #tpu.memory_space<vmem>>
    %dma_start3A_103 = tpu.memref_slice %arg2[%multiple_of3A, %multiple_of3A_96] : memref<32x1000000xf32, #tpu.memory_space<hbm>> -> memref<8x512xf32, #tpu.memory_space<hbm>>
    %dma_start3A_104 = tpu.memref_slice %arg5[%dma_start3A_98] : memref<8x!tpu.dma_semaphore, #tpu.memory_space<semaphore_mem>> -> memref<1x!tpu.dma_semaphore, #tpu.memory_space<semaphore_mem>>
    %dma_start3A_105 = tpu.memref_squeeze %dma_start3A_104 : memref<1x!tpu.dma_semaphore, #tpu.memory_space<semaphore_mem>> -> memref<!tpu.dma_semaphore, #tpu.memory_space<semaphore_mem>>
    %dma_start3A_106 = arith.constant 0 : i32
    %dma_start3A_107 = arith.constant 0 : i32
    %dma_start3A_108 = tpu.memref_slice %arg4[%dma_start3A_97, %dma_start3A_106, %dma_start3A_107] : memref<8x8x512xf32, #tpu.memory_space<vmem>> -> memref<1x8x512xf32, #tpu.memory_space<vmem>>
    %dma_start3A_109 = tpu.memref_squeeze %dma_start3A_108 : memref<1x8x512xf32, #tpu.memory_space<vmem>> -> memref<8x512xf32, #tpu.memory_space<vmem>>
    %dma_start3A_110 = tpu.memref_slice %arg2[%multiple_of3A, %multiple_of3A_96] : memref<32x1000000xf32, #tpu.memory_space<hbm>> -> memref<8x512xf32, #tpu.memory_space<hbm>>
    tpu.enqueue_dma source(%dma_start3A_110 : memref<8x512xf32, #tpu.memory_space<hbm>>) target(%dma_start3A_109 : memref<8x512xf32, #tpu.memory_space<vmem>>) target_semaphore(%dma_start3A_105 : memref<!tpu.dma_semaphore, #tpu.memory_space<semaphore_mem>>)
    %mul3A_111 = arith.constant 8 : i32
    %mul3A_112 = arith.constant 5 : i32
    %mul3A_113 = arith.muli %mul3A_111, %mul3A_112 : i32
    %add3A_114 = arith.addi %div3A_2, %mul3A_113 : i32
    %mul3A_115 = arith.constant 512 : i32
    %mul3A_116 = arith.muli %add3A_114, %mul3A_115 : i32
    %multiple_of3A_117 = tpu.assume_multiple %mul3A_116, 128 : i32
    %dma_start3A_118 = arith.constant 5 : i32
    %dma_start3A_119 = arith.constant 5 : i32
    %dma_start3A_120 = arith.constant 0 : i32
    %dma_start3A_121 = arith.constant 0 : i32
    %dma_start3A_122 = tpu.memref_slice %arg4[%dma_start3A_118, %dma_start3A_120, %dma_start3A_121] : memref<8x8x512xf32, #tpu.memory_space<vmem>> -> memref<1x8x512xf32, #tpu.memory_space<vmem>>
    %dma_start3A_123 = tpu.memref_squeeze %dma_start3A_122 : memref<1x8x512xf32, #tpu.memory_space<vmem>> -> memref<8x512xf32, #tpu.memory_space<vmem>>
    %dma_start3A_124 = tpu.memref_slice %arg2[%multiple_of3A, %multiple_of3A_117] : memref<32x1000000xf32, #tpu.memory_space<hbm>> -> memref<8x512xf32, #tpu.memory_space<hbm>>
    %dma_start3A_125 = tpu.memref_slice %arg5[%dma_start3A_119] : memref<8x!tpu.dma_semaphore, #tpu.memory_space<semaphore_mem>> -> memref<1x!tpu.dma_semaphore, #tpu.memory_space<semaphore_mem>>
    %dma_start3A_126 = tpu.memref_squeeze %dma_start3A_125 : memref<1x!tpu.dma_semaphore, #tpu.memory_space<semaphore_mem>> -> memref<!tpu.dma_semaphore, #tpu.memory_space<semaphore_mem>>
    %dma_start3A_127 = arith.constant 0 : i32
    %dma_start3A_128 = arith.constant 0 : i32
    %dma_start3A_129 = tpu.memref_slice %arg4[%dma_start3A_118, %dma_start3A_127, %dma_start3A_128] : memref<8x8x512xf32, #tpu.memory_space<vmem>> -> memref<1x8x512xf32, #tpu.memory_space<vmem>>
    %dma_start3A_130 = tpu.memref_squeeze %dma_start3A_129 : memref<1x8x512xf32, #tpu.memory_space<vmem>> -> memref<8x512xf32, #tpu.memory_space<vmem>>
    %dma_start3A_131 = tpu.memref_slice %arg2[%multiple_of3A, %multiple_of3A_117] : memref<32x1000000xf32, #tpu.memory_space<hbm>> -> memref<8x512xf32, #tpu.memory_space<hbm>>
    tpu.enqueue_dma source(%dma_start3A_131 : memref<8x512xf32, #tpu.memory_space<hbm>>) target(%dma_start3A_130 : memref<8x512xf32, #tpu.memory_space<vmem>>) target_semaphore(%dma_start3A_126 : memref<!tpu.dma_semaphore, #tpu.memory_space<semaphore_mem>>)
    %while3A = arith.constant 0 : i32
    %while3A_132 = arith.constant 0 : i32
    %while3A_133 = arith.subi %select_n3A, %while3A : i32
    %while3A_134 = arith.addi %while3A, %while3A_133 : i32
    %while3A_135 = arith.constant 1 : i32
    %while3A_136 = arith.divsi %while3A_133, %while3A_135 : i32
    %while3A_137 = arith.muli %while3A_136, %while3A_135 : i32
    %while3A_138 = arith.addi %while3A, %while3A_137 : i32
    %while3A_139 = arith.constant 1 : i32
    %while3A_140 = scf.for %while3A_155 = %while3A to %while3A_138 step %while3A_139 iter_args(%while3A_156 = %while3A_132) -> (i32)  : i32 {
      %rem3A_157 = arith.constant 8 : i32
      %rem3A_158 = arith.remsi %while3A_155, %rem3A_157 : i32
      %mul3A_159 = arith.constant 8 : i32
      %mul3A_160 = arith.muli %mul3A_159, %while3A_155 : i32
      %add3A_161 = arith.addi %div3A_2, %mul3A_160 : i32
      %mul3A_162 = arith.constant 512 : i32
      %mul3A_163 = arith.muli %add3A_161, %mul3A_162 : i32
      %multiple_of3A_164 = tpu.assume_multiple %mul3A_163, 128 : i32
      %dma_wait3A = arith.constant 0 : i32
      %dma_wait3A_165 = arith.constant 0 : i32
      %dma_wait3A_166 = tpu.memref_slice %arg4[%rem3A_158, %dma_wait3A, %dma_wait3A_165] : memref<8x8x512xf32, #tpu.memory_space<vmem>> -> memref<1x8x512xf32, #tpu.memory_space<vmem>>
      %dma_wait3A_167 = tpu.memref_squeeze %dma_wait3A_166 : memref<1x8x512xf32, #tpu.memory_space<vmem>> -> memref<8x512xf32, #tpu.memory_space<vmem>>
      %dma_wait3A_168 = tpu.memref_slice %arg2[%multiple_of3A, %multiple_of3A_164] : memref<32x1000000xf32, #tpu.memory_space<hbm>> -> memref<8x512xf32, #tpu.memory_space<hbm>>
      %dma_wait3A_169 = tpu.memref_slice %arg5[%rem3A_158] : memref<8x!tpu.dma_semaphore, #tpu.memory_space<semaphore_mem>> -> memref<1x!tpu.dma_semaphore, #tpu.memory_space<semaphore_mem>>
      %dma_wait3A_170 = tpu.memref_squeeze %dma_wait3A_169 : memref<1x!tpu.dma_semaphore, #tpu.memory_space<semaphore_mem>> -> memref<!tpu.dma_semaphore, #tpu.memory_space<semaphore_mem>>
      %dma_wait3A_171 = arith.constant 0 : i32
      %dma_wait3A_172 = arith.constant 0 : i32
      %dma_wait3A_173 = tpu.memref_slice %arg4[%rem3A_158, %dma_wait3A_171, %dma_wait3A_172] : memref<8x8x512xf32, #tpu.memory_space<vmem>> -> memref<1x8x512xf32, #tpu.memory_space<vmem>>
      %dma_wait3A_174 = tpu.memref_squeeze %dma_wait3A_173 : memref<1x8x512xf32, #tpu.memory_space<vmem>> -> memref<8x512xf32, #tpu.memory_space<vmem>>
      %dma_wait3A_175 = tpu.memref_slice %arg2[%multiple_of3A, %multiple_of3A_164] : memref<32x1000000xf32, #tpu.memory_space<hbm>> -> memref<8x512xf32, #tpu.memory_space<hbm>>
      tpu.wait_dma2 semaphore(%dma_wait3A_170 : memref<!tpu.dma_semaphore, #tpu.memory_space<semaphore_mem>>) src(%dma_wait3A_175 : memref<8x512xf32, #tpu.memory_space<hbm>>) dst(%dma_wait3A_174 : memref<8x512xf32, #tpu.memory_space<vmem>>)
      %mul3A_176 = arith.constant 8 : i32
      %mul3A_177 = arith.muli %mul3A_176, %while3A_155 : i32
      %add3A_178 = arith.addi %div3A_2, %mul3A_177 : i32
      %mul3A_179 = arith.constant 512 : i32
      %mul3A_180 = arith.muli %add3A_178, %mul3A_179 : i32
      %multiple_of3A_181 = tpu.assume_multiple %mul3A_180, 128 : i32
      %dma_start3A_182 = arith.constant 0 : i32
      %dma_start3A_183 = arith.constant 0 : i32
      %dma_start3A_184 = tpu.memref_slice %arg4[%rem3A_158, %dma_start3A_182, %dma_start3A_183] : memref<8x8x512xf32, #tpu.memory_space<vmem>> -> memref<1x8x512xf32, #tpu.memory_space<vmem>>
      %dma_start3A_185 = tpu.memref_squeeze %dma_start3A_184 : memref<1x8x512xf32, #tpu.memory_space<vmem>> -> memref<8x512xf32, #tpu.memory_space<vmem>>
      %dma_start3A_186 = tpu.memref_slice %arg3[%multiple_of3A, %multiple_of3A_181] : memref<32x1000000xf32, #tpu.memory_space<hbm>> -> memref<8x512xf32, #tpu.memory_space<hbm>>
      %dma_start3A_187 = tpu.memref_slice %arg6[%rem3A_158] : memref<8x!tpu.dma_semaphore, #tpu.memory_space<semaphore_mem>> -> memref<1x!tpu.dma_semaphore, #tpu.memory_space<semaphore_mem>>
      %dma_start3A_188 = tpu.memref_squeeze %dma_start3A_187 : memref<1x!tpu.dma_semaphore, #tpu.memory_space<semaphore_mem>> -> memref<!tpu.dma_semaphore, #tpu.memory_space<semaphore_mem>>
      %dma_start3A_189 = tpu.memref_slice %arg3[%multiple_of3A, %multiple_of3A_181] : memref<32x1000000xf32, #tpu.memory_space<hbm>> -> memref<8x512xf32, #tpu.memory_space<hbm>>
      %dma_start3A_190 = arith.constant 0 : i32
      %dma_start3A_191 = arith.constant 0 : i32
      %dma_start3A_192 = tpu.memref_slice %arg4[%rem3A_158, %dma_start3A_190, %dma_start3A_191] : memref<8x8x512xf32, #tpu.memory_space<vmem>> -> memref<1x8x512xf32, #tpu.memory_space<vmem>>
      %dma_start3A_193 = tpu.memref_squeeze %dma_start3A_192 : memref<1x8x512xf32, #tpu.memory_space<vmem>> -> memref<8x512xf32, #tpu.memory_space<vmem>>
      tpu.enqueue_dma source(%dma_start3A_193 : memref<8x512xf32, #tpu.memory_space<vmem>>) target(%dma_start3A_189 : memref<8x512xf32, #tpu.memory_space<hbm>>) target_semaphore(%dma_start3A_188 : memref<!tpu.dma_semaphore, #tpu.memory_space<semaphore_mem>>)
      %add3A_194 = arith.constant 6 : i32
      %add3A_195 = arith.addi %while3A_155, %add3A_194 : i32
      %rem3A_196 = arith.constant 8 : i32
      %rem3A_197 = arith.remsi %add3A_195, %rem3A_196 : i32
      %lt3A = arith.cmpi slt, %add3A_195, %select_n3A : i32
      %ge3A = arith.constant 8 : i32
      %ge3A_198 = arith.cmpi sge, %add3A_195, %ge3A : i32
      %and3A = arith.andi %lt3A, %ge3A_198 : i1
      %convert_element_type3A = arith.extui %and3A : i1 to i32
      %cond3A = arith.constant 0 : i32
      %cond3A_199 = arith.cmpi ne, %convert_element_type3A, %cond3A : i32
      scf.if %cond3A_199 {
        %sub3A_205 = arith.constant 8 : i32
        %sub3A_206 = arith.subi %add3A_195, %sub3A_205 : i32
        %mul3A_207 = arith.constant 8 : i32
        %mul3A_208 = arith.muli %mul3A_207, %sub3A_206 : i32
        %add3A_209 = arith.addi %div3A_2, %mul3A_208 : i32
        %mul3A_210 = arith.constant 512 : i32
        %mul3A_211 = arith.muli %add3A_209, %mul3A_210 : i32
        %multiple_of3A_212 = tpu.assume_multiple %mul3A_211, 128 : i32
        %dma_wait3A_213 = arith.constant 0 : i32
        %dma_wait3A_214 = arith.constant 0 : i32
        %dma_wait3A_215 = tpu.memref_slice %arg4[%rem3A_197, %dma_wait3A_213, %dma_wait3A_214] : memref<8x8x512xf32, #tpu.memory_space<vmem>> -> memref<1x8x512xf32, #tpu.memory_space<vmem>>
        %dma_wait3A_216 = tpu.memref_squeeze %dma_wait3A_215 : memref<1x8x512xf32, #tpu.memory_space<vmem>> -> memref<8x512xf32, #tpu.memory_space<vmem>>
        %dma_wait3A_217 = tpu.memref_slice %arg3[%multiple_of3A, %multiple_of3A_212] : memref<32x1000000xf32, #tpu.memory_space<hbm>> -> memref<8x512xf32, #tpu.memory_space<hbm>>
        %dma_wait3A_218 = tpu.memref_slice %arg6[%rem3A_197] : memref<8x!tpu.dma_semaphore, #tpu.memory_space<semaphore_mem>> -> memref<1x!tpu.dma_semaphore, #tpu.memory_space<semaphore_mem>>
        %dma_wait3A_219 = tpu.memref_squeeze %dma_wait3A_218 : memref<1x!tpu.dma_semaphore, #tpu.memory_space<semaphore_mem>> -> memref<!tpu.dma_semaphore, #tpu.memory_space<semaphore_mem>>
        %dma_wait3A_220 = tpu.memref_slice %arg3[%multiple_of3A, %multiple_of3A_212] : memref<32x1000000xf32, #tpu.memory_space<hbm>> -> memref<8x512xf32, #tpu.memory_space<hbm>>
        %dma_wait3A_221 = arith.constant 0 : i32
        %dma_wait3A_222 = arith.constant 0 : i32
        %dma_wait3A_223 = tpu.memref_slice %arg4[%rem3A_197, %dma_wait3A_221, %dma_wait3A_222] : memref<8x8x512xf32, #tpu.memory_space<vmem>> -> memref<1x8x512xf32, #tpu.memory_space<vmem>>
        %dma_wait3A_224 = tpu.memref_squeeze %dma_wait3A_223 : memref<1x8x512xf32, #tpu.memory_space<vmem>> -> memref<8x512xf32, #tpu.memory_space<vmem>>
        tpu.wait_dma2 semaphore(%dma_wait3A_219 : memref<!tpu.dma_semaphore, #tpu.memory_space<semaphore_mem>>) src(%dma_wait3A_224 : memref<8x512xf32, #tpu.memory_space<vmem>>) dst(%dma_wait3A_220 : memref<8x512xf32, #tpu.memory_space<hbm>>)
      } else {
      }
      %lt3A_200 = arith.cmpi slt, %add3A_195, %select_n3A : i32
      %convert_element_type3A_201 = arith.extui %lt3A_200 : i1 to i32
      %cond3A_202 = arith.constant 0 : i32
      %cond3A_203 = arith.cmpi ne, %convert_element_type3A_201, %cond3A_202 : i32
      scf.if %cond3A_203 {
        %mul3A_205 = arith.constant 8 : i32
        %mul3A_206 = arith.muli %mul3A_205, %add3A_195 : i32
        %add3A_207 = arith.addi %div3A_2, %mul3A_206 : i32
        %mul3A_208 = arith.constant 512 : i32
        %mul3A_209 = arith.muli %add3A_207, %mul3A_208 : i32
        %multiple_of3A_210 = tpu.assume_multiple %mul3A_209, 128 : i32
        %dma_start3A_211 = arith.constant 0 : i32
        %dma_start3A_212 = arith.constant 0 : i32
        %dma_start3A_213 = tpu.memref_slice %arg4[%rem3A_197, %dma_start3A_211, %dma_start3A_212] : memref<8x8x512xf32, #tpu.memory_space<vmem>> -> memref<1x8x512xf32, #tpu.memory_space<vmem>>
        %dma_start3A_214 = tpu.memref_squeeze %dma_start3A_213 : memref<1x8x512xf32, #tpu.memory_space<vmem>> -> memref<8x512xf32, #tpu.memory_space<vmem>>
        %dma_start3A_215 = tpu.memref_slice %arg2[%multiple_of3A, %multiple_of3A_210] : memref<32x1000000xf32, #tpu.memory_space<hbm>> -> memref<8x512xf32, #tpu.memory_space<hbm>>
        %dma_start3A_216 = tpu.memref_slice %arg5[%rem3A_197] : memref<8x!tpu.dma_semaphore, #tpu.memory_space<semaphore_mem>> -> memref<1x!tpu.dma_semaphore, #tpu.memory_space<semaphore_mem>>
        %dma_start3A_217 = tpu.memref_squeeze %dma_start3A_216 : memref<1x!tpu.dma_semaphore, #tpu.memory_space<semaphore_mem>> -> memref<!tpu.dma_semaphore, #tpu.memory_space<semaphore_mem>>
        %dma_start3A_218 = arith.constant 0 : i32
        %dma_start3A_219 = arith.constant 0 : i32
        %dma_start3A_220 = tpu.memref_slice %arg4[%rem3A_197, %dma_start3A_218, %dma_start3A_219] : memref<8x8x512xf32, #tpu.memory_space<vmem>> -> memref<1x8x512xf32, #tpu.memory_space<vmem>>
        %dma_start3A_221 = tpu.memref_squeeze %dma_start3A_220 : memref<1x8x512xf32, #tpu.memory_space<vmem>> -> memref<8x512xf32, #tpu.memory_space<vmem>>
        %dma_start3A_222 = tpu.memref_slice %arg2[%multiple_of3A, %multiple_of3A_210] : memref<32x1000000xf32, #tpu.memory_space<hbm>> -> memref<8x512xf32, #tpu.memory_space<hbm>>
        tpu.enqueue_dma source(%dma_start3A_222 : memref<8x512xf32, #tpu.memory_space<hbm>>) target(%dma_start3A_221 : memref<8x512xf32, #tpu.memory_space<vmem>>) target_semaphore(%dma_start3A_217 : memref<!tpu.dma_semaphore, #tpu.memory_space<semaphore_mem>>)
      } else {
      }
      %while3A_204 = arith.constant 0 : i32
      scf.yield %while3A_204 : i32
    }
    %while3A_141 = arith.constant 1 : i32
    %while3A_142 = scf.for %while3A_155 = %while3A_138 to %while3A_134 step %while3A_141 iter_args(%while3A_156 = %while3A_140) -> (i32)  : i32 {
      %rem3A_157 = arith.constant 8 : i32
      %rem3A_158 = arith.remsi %while3A_155, %rem3A_157 : i32
      %mul3A_159 = arith.constant 8 : i32
      %mul3A_160 = arith.muli %mul3A_159, %while3A_155 : i32
      %add3A_161 = arith.addi %div3A_2, %mul3A_160 : i32
      %mul3A_162 = arith.constant 512 : i32
      %mul3A_163 = arith.muli %add3A_161, %mul3A_162 : i32
      %multiple_of3A_164 = tpu.assume_multiple %mul3A_163, 128 : i32
      %dma_wait3A = arith.constant 0 : i32
      %dma_wait3A_165 = arith.constant 0 : i32
      %dma_wait3A_166 = tpu.memref_slice %arg4[%rem3A_158, %dma_wait3A, %dma_wait3A_165] : memref<8x8x512xf32, #tpu.memory_space<vmem>> -> memref<1x8x512xf32, #tpu.memory_space<vmem>>
      %dma_wait3A_167 = tpu.memref_squeeze %dma_wait3A_166 : memref<1x8x512xf32, #tpu.memory_space<vmem>> -> memref<8x512xf32, #tpu.memory_space<vmem>>
      %dma_wait3A_168 = tpu.memref_slice %arg2[%multiple_of3A, %multiple_of3A_164] : memref<32x1000000xf32, #tpu.memory_space<hbm>> -> memref<8x512xf32, #tpu.memory_space<hbm>>
      %dma_wait3A_169 = tpu.memref_slice %arg5[%rem3A_158] : memref<8x!tpu.dma_semaphore, #tpu.memory_space<semaphore_mem>> -> memref<1x!tpu.dma_semaphore, #tpu.memory_space<semaphore_mem>>
      %dma_wait3A_170 = tpu.memref_squeeze %dma_wait3A_169 : memref<1x!tpu.dma_semaphore, #tpu.memory_space<semaphore_mem>> -> memref<!tpu.dma_semaphore, #tpu.memory_space<semaphore_mem>>
      %dma_wait3A_171 = arith.constant 0 : i32
      %dma_wait3A_172 = arith.constant 0 : i32
      %dma_wait3A_173 = tpu.memref_slice %arg4[%rem3A_158, %dma_wait3A_171, %dma_wait3A_172] : memref<8x8x512xf32, #tpu.memory_space<vmem>> -> memref<1x8x512xf32, #tpu.memory_space<vmem>>
      %dma_wait3A_174 = tpu.memref_squeeze %dma_wait3A_173 : memref<1x8x512xf32, #tpu.memory_space<vmem>> -> memref<8x512xf32, #tpu.memory_space<vmem>>
      %dma_wait3A_175 = tpu.memref_slice %arg2[%multiple_of3A, %multiple_of3A_164] : memref<32x1000000xf32, #tpu.memory_space<hbm>> -> memref<8x512xf32, #tpu.memory_space<hbm>>
      tpu.wait_dma2 semaphore(%dma_wait3A_170 : memref<!tpu.dma_semaphore, #tpu.memory_space<semaphore_mem>>) src(%dma_wait3A_175 : memref<8x512xf32, #tpu.memory_space<hbm>>) dst(%dma_wait3A_174 : memref<8x512xf32, #tpu.memory_space<vmem>>)
      %mul3A_176 = arith.constant 8 : i32
      %mul3A_177 = arith.muli %mul3A_176, %while3A_155 : i32
      %add3A_178 = arith.addi %div3A_2, %mul3A_177 : i32
      %mul3A_179 = arith.constant 512 : i32
      %mul3A_180 = arith.muli %add3A_178, %mul3A_179 : i32
      %multiple_of3A_181 = tpu.assume_multiple %mul3A_180, 128 : i32
      %dma_start3A_182 = arith.constant 0 : i32
      %dma_start3A_183 = arith.constant 0 : i32
      %dma_start3A_184 = tpu.memref_slice %arg4[%rem3A_158, %dma_start3A_182, %dma_start3A_183] : memref<8x8x512xf32, #tpu.memory_space<vmem>> -> memref<1x8x512xf32, #tpu.memory_space<vmem>>
      %dma_start3A_185 = tpu.memref_squeeze %dma_start3A_184 : memref<1x8x512xf32, #tpu.memory_space<vmem>> -> memref<8x512xf32, #tpu.memory_space<vmem>>
      %dma_start3A_186 = tpu.memref_slice %arg3[%multiple_of3A, %multiple_of3A_181] : memref<32x1000000xf32, #tpu.memory_space<hbm>> -> memref<8x512xf32, #tpu.memory_space<hbm>>
      %dma_start3A_187 = tpu.memref_slice %arg6[%rem3A_158] : memref<8x!tpu.dma_semaphore, #tpu.memory_space<semaphore_mem>> -> memref<1x!tpu.dma_semaphore, #tpu.memory_space<semaphore_mem>>
      %dma_start3A_188 = tpu.memref_squeeze %dma_start3A_187 : memref<1x!tpu.dma_semaphore, #tpu.memory_space<semaphore_mem>> -> memref<!tpu.dma_semaphore, #tpu.memory_space<semaphore_mem>>
      %dma_start3A_189 = tpu.memref_slice %arg3[%multiple_of3A, %multiple_of3A_181] : memref<32x1000000xf32, #tpu.memory_space<hbm>> -> memref<8x512xf32, #tpu.memory_space<hbm>>
      %dma_start3A_190 = arith.constant 0 : i32
      %dma_start3A_191 = arith.constant 0 : i32
      %dma_start3A_192 = tpu.memref_slice %arg4[%rem3A_158, %dma_start3A_190, %dma_start3A_191] : memref<8x8x512xf32, #tpu.memory_space<vmem>> -> memref<1x8x512xf32, #tpu.memory_space<vmem>>
      %dma_start3A_193 = tpu.memref_squeeze %dma_start3A_192 : memref<1x8x512xf32, #tpu.memory_space<vmem>> -> memref<8x512xf32, #tpu.memory_space<vmem>>
      tpu.enqueue_dma source(%dma_start3A_193 : memref<8x512xf32, #tpu.memory_space<vmem>>) target(%dma_start3A_189 : memref<8x512xf32, #tpu.memory_space<hbm>>) target_semaphore(%dma_start3A_188 : memref<!tpu.dma_semaphore, #tpu.memory_space<semaphore_mem>>)
      %add3A_194 = arith.constant 6 : i32
      %add3A_195 = arith.addi %while3A_155, %add3A_194 : i32
      %rem3A_196 = arith.constant 8 : i32
      %rem3A_197 = arith.remsi %add3A_195, %rem3A_196 : i32
      %lt3A = arith.cmpi slt, %add3A_195, %select_n3A : i32
      %ge3A = arith.constant 8 : i32
      %ge3A_198 = arith.cmpi sge, %add3A_195, %ge3A : i32
      %and3A = arith.andi %lt3A, %ge3A_198 : i1
      %convert_element_type3A = arith.extui %and3A : i1 to i32
      %cond3A = arith.constant 0 : i32
      %cond3A_199 = arith.cmpi ne, %convert_element_type3A, %cond3A : i32
      scf.if %cond3A_199 {
        %sub3A_205 = arith.constant 8 : i32
        %sub3A_206 = arith.subi %add3A_195, %sub3A_205 : i32
        %mul3A_207 = arith.constant 8 : i32
        %mul3A_208 = arith.muli %mul3A_207, %sub3A_206 : i32
        %add3A_209 = arith.addi %div3A_2, %mul3A_208 : i32
        %mul3A_210 = arith.constant 512 : i32
        %mul3A_211 = arith.muli %add3A_209, %mul3A_210 : i32
        %multiple_of3A_212 = tpu.assume_multiple %mul3A_211, 128 : i32
        %dma_wait3A_213 = arith.constant 0 : i32
        %dma_wait3A_214 = arith.constant 0 : i32
        %dma_wait3A_215 = tpu.memref_slice %arg4[%rem3A_197, %dma_wait3A_213, %dma_wait3A_214] : memref<8x8x512xf32, #tpu.memory_space<vmem>> -> memref<1x8x512xf32, #tpu.memory_space<vmem>>
        %dma_wait3A_216 = tpu.memref_squeeze %dma_wait3A_215 : memref<1x8x512xf32, #tpu.memory_space<vmem>> -> memref<8x512xf32, #tpu.memory_space<vmem>>
        %dma_wait3A_217 = tpu.memref_slice %arg3[%multiple_of3A, %multiple_of3A_212] : memref<32x1000000xf32, #tpu.memory_space<hbm>> -> memref<8x512xf32, #tpu.memory_space<hbm>>
        %dma_wait3A_218 = tpu.memref_slice %arg6[%rem3A_197] : memref<8x!tpu.dma_semaphore, #tpu.memory_space<semaphore_mem>> -> memref<1x!tpu.dma_semaphore, #tpu.memory_space<semaphore_mem>>
        %dma_wait3A_219 = tpu.memref_squeeze %dma_wait3A_218 : memref<1x!tpu.dma_semaphore, #tpu.memory_space<semaphore_mem>> -> memref<!tpu.dma_semaphore, #tpu.memory_space<semaphore_mem>>
        %dma_wait3A_220 = tpu.memref_slice %arg3[%multiple_of3A, %multiple_of3A_212] : memref<32x1000000xf32, #tpu.memory_space<hbm>> -> memref<8x512xf32, #tpu.memory_space<hbm>>
        %dma_wait3A_221 = arith.constant 0 : i32
        %dma_wait3A_222 = arith.constant 0 : i32
        %dma_wait3A_223 = tpu.memref_slice %arg4[%rem3A_197, %dma_wait3A_221, %dma_wait3A_222] : memref<8x8x512xf32, #tpu.memory_space<vmem>> -> memref<1x8x512xf32, #tpu.memory_space<vmem>>
        %dma_wait3A_224 = tpu.memref_squeeze %dma_wait3A_223 : memref<1x8x512xf32, #tpu.memory_space<vmem>> -> memref<8x512xf32, #tpu.memory_space<vmem>>
        tpu.wait_dma2 semaphore(%dma_wait3A_219 : memref<!tpu.dma_semaphore, #tpu.memory_space<semaphore_mem>>) src(%dma_wait3A_224 : memref<8x512xf32, #tpu.memory_space<vmem>>) dst(%dma_wait3A_220 : memref<8x512xf32, #tpu.memory_space<hbm>>)
      } else {
      }
      %lt3A_200 = arith.cmpi slt, %add3A_195, %select_n3A : i32
      %convert_element_type3A_201 = arith.extui %lt3A_200 : i1 to i32
      %cond3A_202 = arith.constant 0 : i32
      %cond3A_203 = arith.cmpi ne, %convert_element_type3A_201, %cond3A_202 : i32
      scf.if %cond3A_203 {
        %mul3A_205 = arith.constant 8 : i32
        %mul3A_206 = arith.muli %mul3A_205, %add3A_195 : i32
        %add3A_207 = arith.addi %div3A_2, %mul3A_206 : i32
        %mul3A_208 = arith.constant 512 : i32
        %mul3A_209 = arith.muli %add3A_207, %mul3A_208 : i32
        %multiple_of3A_210 = tpu.assume_multiple %mul3A_209, 128 : i32
        %dma_start3A_211 = arith.constant 0 : i32
        %dma_start3A_212 = arith.constant 0 : i32
        %dma_start3A_213 = tpu.memref_slice %arg4[%rem3A_197, %dma_start3A_211, %dma_start3A_212] : memref<8x8x512xf32, #tpu.memory_space<vmem>> -> memref<1x8x512xf32, #tpu.memory_space<vmem>>
        %dma_start3A_214 = tpu.memref_squeeze %dma_start3A_213 : memref<1x8x512xf32, #tpu.memory_space<vmem>> -> memref<8x512xf32, #tpu.memory_space<vmem>>
        %dma_start3A_215 = tpu.memref_slice %arg2[%multiple_of3A, %multiple_of3A_210] : memref<32x1000000xf32, #tpu.memory_space<hbm>> -> memref<8x512xf32, #tpu.memory_space<hbm>>
        %dma_start3A_216 = tpu.memref_slice %arg5[%rem3A_197] : memref<8x!tpu.dma_semaphore, #tpu.memory_space<semaphore_mem>> -> memref<1x!tpu.dma_semaphore, #tpu.memory_space<semaphore_mem>>
        %dma_start3A_217 = tpu.memref_squeeze %dma_start3A_216 : memref<1x!tpu.dma_semaphore, #tpu.memory_space<semaphore_mem>> -> memref<!tpu.dma_semaphore, #tpu.memory_space<semaphore_mem>>
        %dma_start3A_218 = arith.constant 0 : i32
        %dma_start3A_219 = arith.constant 0 : i32
        %dma_start3A_220 = tpu.memref_slice %arg4[%rem3A_197, %dma_start3A_218, %dma_start3A_219] : memref<8x8x512xf32, #tpu.memory_space<vmem>> -> memref<1x8x512xf32, #tpu.memory_space<vmem>>
        %dma_start3A_221 = tpu.memref_squeeze %dma_start3A_220 : memref<1x8x512xf32, #tpu.memory_space<vmem>> -> memref<8x512xf32, #tpu.memory_space<vmem>>
        %dma_start3A_222 = tpu.memref_slice %arg2[%multiple_of3A, %multiple_of3A_210] : memref<32x1000000xf32, #tpu.memory_space<hbm>> -> memref<8x512xf32, #tpu.memory_space<hbm>>
        tpu.enqueue_dma source(%dma_start3A_222 : memref<8x512xf32, #tpu.memory_space<hbm>>) target(%dma_start3A_221 : memref<8x512xf32, #tpu.memory_space<vmem>>) target_semaphore(%dma_start3A_217 : memref<!tpu.dma_semaphore, #tpu.memory_space<semaphore_mem>>)
      } else {
      }
      %while3A_204 = arith.constant 0 : i32
      scf.yield %while3A_204 : i32
    }
    %sub3A = arith.constant 8 : i32
    %sub3A_143 = arith.subi %select_n3A, %sub3A : i32
    %while3A_144 = arith.constant 0 : i32
    %while3A_145 = arith.subi %select_n3A, %sub3A_143 : i32
    %while3A_146 = arith.addi %sub3A_143, %while3A_145 : i32
    %while3A_147 = arith.constant 1 : i32
    %while3A_148 = arith.divsi %while3A_145, %while3A_147 : i32
    %while3A_149 = arith.muli %while3A_148, %while3A_147 : i32
    %while3A_150 = arith.addi %sub3A_143, %while3A_149 : i32
    %while3A_151 = arith.constant 1 : i32
    %while3A_152 = scf.for %while3A_155 = %sub3A_143 to %while3A_150 step %while3A_151 iter_args(%while3A_156 = %while3A_144) -> (i32)  : i32 {
      %rem3A_157 = arith.constant 8 : i32
      %rem3A_158 = arith.remsi %while3A_155, %rem3A_157 : i32
      %mul3A_159 = arith.constant 8 : i32
      %mul3A_160 = arith.muli %mul3A_159, %while3A_155 : i32
      %add3A_161 = arith.addi %div3A_2, %mul3A_160 : i32
      %mul3A_162 = arith.constant 512 : i32
      %mul3A_163 = arith.muli %add3A_161, %mul3A_162 : i32
      %multiple_of3A_164 = tpu.assume_multiple %mul3A_163, 128 : i32
      %dma_wait3A = arith.constant 0 : i32
      %dma_wait3A_165 = arith.constant 0 : i32
      %dma_wait3A_166 = tpu.memref_slice %arg4[%rem3A_158, %dma_wait3A, %dma_wait3A_165] : memref<8x8x512xf32, #tpu.memory_space<vmem>> -> memref<1x8x512xf32, #tpu.memory_space<vmem>>
      %dma_wait3A_167 = tpu.memref_squeeze %dma_wait3A_166 : memref<1x8x512xf32, #tpu.memory_space<vmem>> -> memref<8x512xf32, #tpu.memory_space<vmem>>
      %dma_wait3A_168 = tpu.memref_slice %arg3[%multiple_of3A, %multiple_of3A_164] : memref<32x1000000xf32, #tpu.memory_space<hbm>> -> memref<8x512xf32, #tpu.memory_space<hbm>>
      %dma_wait3A_169 = tpu.memref_slice %arg6[%rem3A_158] : memref<8x!tpu.dma_semaphore, #tpu.memory_space<semaphore_mem>> -> memref<1x!tpu.dma_semaphore, #tpu.memory_space<semaphore_mem>>
      %dma_wait3A_170 = tpu.memref_squeeze %dma_wait3A_169 : memref<1x!tpu.dma_semaphore, #tpu.memory_space<semaphore_mem>> -> memref<!tpu.dma_semaphore, #tpu.memory_space<semaphore_mem>>
      %dma_wait3A_171 = tpu.memref_slice %arg3[%multiple_of3A, %multiple_of3A_164] : memref<32x1000000xf32, #tpu.memory_space<hbm>> -> memref<8x512xf32, #tpu.memory_space<hbm>>
      %dma_wait3A_172 = arith.constant 0 : i32
      %dma_wait3A_173 = arith.constant 0 : i32
      %dma_wait3A_174 = tpu.memref_slice %arg4[%rem3A_158, %dma_wait3A_172, %dma_wait3A_173] : memref<8x8x512xf32, #tpu.memory_space<vmem>> -> memref<1x8x512xf32, #tpu.memory_space<vmem>>
      %dma_wait3A_175 = tpu.memref_squeeze %dma_wait3A_174 : memref<1x8x512xf32, #tpu.memory_space<vmem>> -> memref<8x512xf32, #tpu.memory_space<vmem>>
      tpu.wait_dma2 semaphore(%dma_wait3A_170 : memref<!tpu.dma_semaphore, #tpu.memory_space<semaphore_mem>>) src(%dma_wait3A_175 : memref<8x512xf32, #tpu.memory_space<vmem>>) dst(%dma_wait3A_171 : memref<8x512xf32, #tpu.memory_space<hbm>>)
      %while3A_176 = arith.constant 0 : i32
      scf.yield %while3A_176 : i32
    }
    %while3A_153 = arith.constant 1 : i32
    %while3A_154 = scf.for %while3A_155 = %while3A_150 to %while3A_146 step %while3A_153 iter_args(%while3A_156 = %while3A_152) -> (i32)  : i32 {
      %rem3A_157 = arith.constant 8 : i32
      %rem3A_158 = arith.remsi %while3A_155, %rem3A_157 : i32
      %mul3A_159 = arith.constant 8 : i32
      %mul3A_160 = arith.muli %mul3A_159, %while3A_155 : i32
      %add3A_161 = arith.addi %div3A_2, %mul3A_160 : i32
      %mul3A_162 = arith.constant 512 : i32
      %mul3A_163 = arith.muli %add3A_161, %mul3A_162 : i32
      %multiple_of3A_164 = tpu.assume_multiple %mul3A_163, 128 : i32
      %dma_wait3A = arith.constant 0 : i32
      %dma_wait3A_165 = arith.constant 0 : i32
      %dma_wait3A_166 = tpu.memref_slice %arg4[%rem3A_158, %dma_wait3A, %dma_wait3A_165] : memref<8x8x512xf32, #tpu.memory_space<vmem>> -> memref<1x8x512xf32, #tpu.memory_space<vmem>>
      %dma_wait3A_167 = tpu.memref_squeeze %dma_wait3A_166 : memref<1x8x512xf32, #tpu.memory_space<vmem>> -> memref<8x512xf32, #tpu.memory_space<vmem>>
      %dma_wait3A_168 = tpu.memref_slice %arg3[%multiple_of3A, %multiple_of3A_164] : memref<32x1000000xf32, #tpu.memory_space<hbm>> -> memref<8x512xf32, #tpu.memory_space<hbm>>
      %dma_wait3A_169 = tpu.memref_slice %arg6[%rem3A_158] : memref<8x!tpu.dma_semaphore, #tpu.memory_space<semaphore_mem>> -> memref<1x!tpu.dma_semaphore, #tpu.memory_space<semaphore_mem>>
      %dma_wait3A_170 = tpu.memref_squeeze %dma_wait3A_169 : memref<1x!tpu.dma_semaphore, #tpu.memory_space<semaphore_mem>> -> memref<!tpu.dma_semaphore, #tpu.memory_space<semaphore_mem>>
      %dma_wait3A_171 = tpu.memref_slice %arg3[%multiple_of3A, %multiple_of3A_164] : memref<32x1000000xf32, #tpu.memory_space<hbm>> -> memref<8x512xf32, #tpu.memory_space<hbm>>
      %dma_wait3A_172 = arith.constant 0 : i32
      %dma_wait3A_173 = arith.constant 0 : i32
      %dma_wait3A_174 = tpu.memref_slice %arg4[%rem3A_158, %dma_wait3A_172, %dma_wait3A_173] : memref<8x8x512xf32, #tpu.memory_space<vmem>> -> memref<1x8x512xf32, #tpu.memory_space<vmem>>
      %dma_wait3A_175 = tpu.memref_squeeze %dma_wait3A_174 : memref<1x8x512xf32, #tpu.memory_space<vmem>> -> memref<8x512xf32, #tpu.memory_space<vmem>>
      tpu.wait_dma2 semaphore(%dma_wait3A_170 : memref<!tpu.dma_semaphore, #tpu.memory_space<semaphore_mem>>) src(%dma_wait3A_175 : memref<8x512xf32, #tpu.memory_space<vmem>>) dst(%dma_wait3A_171 : memref<8x512xf32, #tpu.memory_space<hbm>>)
      %while3A_176 = arith.constant 0 : i32
      scf.yield %while3A_176 : i32
    }
    return
  }
}

module attributes {stable_mosaic.version = 14 : i64} {
  func.func @_edge_block(%arg0: i32, %arg1: memref<32x128xf32, #tpu.memory_space<vmem>>, %arg2: memref<32x1000000xf32, #tpu.memory_space<any>>, %arg3: memref<32x128xf32, #tpu.memory_space<vmem>>) attributes {dimension_semantics = [#tpu.dimension_semantics<arbitrary>], iteration_bounds = array<i64: 1>, scalar_prefetch = 0 : i64, scratch_operands = 0 : i64, tpu.core_type = #tpu.core_type<tc>, window_params = [{transform_indices = @transform_0, window_bounds = array<i64: 32, 128>}, {}, {transform_indices = @transform_2, window_bounds = array<i64: 32, 128>}]} {
    %get3A = arith.constant 0 : index
    %get3A_0 = arith.constant 0 : index
    %get3A_1 = vector.load %arg1[%get3A, %get3A_0] : memref<32x128xf32, #tpu.memory_space<vmem>>, vector<32x128xf32>
    %swap3A = arith.constant 0 : index
    %swap3A_2 = arith.constant 0 : index
    %swap3A_3 = vector.load %arg3[%swap3A, %swap3A_2] : memref<32x128xf32, #tpu.memory_space<vmem>>, vector<32x128xf32>
    tpu.vector_store %arg3[%swap3A, %swap3A_2], %get3A_1 {strides = array<i32>} : memref<32x128xf32, #tpu.memory_space<vmem>>, vector<32x128xf32>,
    return
  }
  func.func @transform_0(%arg0: i32) -> (i32, i32) {
    %c0_i32 = arith.constant 0 : i32
    %c7812_i32 = arith.constant 7812 : i32
    %c0_i32_0 = arith.constant 0 : i32
    return %c0_i32, %c7812_i32 : i32, i32
  }
  func.func @transform_2(%arg0: i32) -> (i32, i32) {
    %c0_i32 = arith.constant 0 : i32
    %c7812_i32 = arith.constant 7812 : i32
    %c0_i32_0 = arith.constant 0 : i32
    return %c0_i32, %c7812_i32 : i32, i32
  }
}

</mosaic_0001>

<sc_bundles>
// kernel: kernel.4.cloned.1.call-start
scs
__scs_entry_jumppad:
0x0: {  	(pc) =	sbr.rel $0x88, $3  }
0x1: {  	(tag) =	ssettag $0x0;
	lr =	simm.s32 $0x1  }
0x2: {  	[smem:$0x3FA0] =	sst lr;
	_ =	strace $0xD0000000  }
0x3: {  	_ = 	snop  }
0x4: {  	_ = 	snop  }
0x5: {  	_ = 	snop  }
0x6: {  	_ = 	snop  }
0x7: {  	_ = 	snop  }
__scs_overlays_trampoline_lowered:
0x8: {  	[smem:$0x3FAF] =	sst s0  }
0x9: {  	[smem:$0x3FB0] =	sst s1  }
0xa: {  	[smem:$0x3FB1] =	sst s2  }
0xb: {  	[smem:$0x3FB2] =	sst s3  }
0xc: {  	[smem:$0x3FB3] =	sst s4  }
0xd: {  	[smem:$0x3FB4] =	sst s5  }
0xe: {  	[smem:$0x3FB5] =	sst s6  }
0xf: {  	[smem:$0x3FB6] =	sst s7  }
0x10: {  	[smem:$0x3FB7] =	sst s8  }
0x11: {  	[smem:$0x3FB8] =	sst s9;
	s0 =	simm.s32 @!p0 $0x0  }
0x12: {  	s1 =	sld [smem:$0x3F9E];
	s0 =	simm.s32 @p0 $0x1  }
0x13: {  	[smem:$0x3FB9] =	sst s0;
	s0 =	simm.s32 @!p1 $0x0  }
0x14: {  	s2 =	sld [smem:$0x3F9D];
	s0 =	simm.s32 @p1 $0x1  }
0x15: {  	[smem:$0x3FBA] =	sst s0;
	s0 =	simm.s32 @!p2 $0x0  }
0x16: {  	s3 =	sld [smem:$0x3FDB];
	s0 =	simm.s32 @p2 $0x1  }
0x17: {  	s4 =	simm.s32 $0x1BF5;
	[smem:$0x3FBC] =	sst s0  }
0x18: {  	s0 =	sld [smem:$0x3F9F];
	_ =	swait.ge [sflag:s4], $0x0  }
0x19: {  	s7 =	sld [smem:$0x3FA0]  }
0x1a: {  	s8 =	sadd.s32 $0xFFFFE003, lr  }
0x1b: {  	s9 =	sadd.s32 $0xFFFFFEF7, lr;
	s5 =	simm.s32 $0xFFFFFFFF;
	p2 =	slt.u32 s8, $0xFFFFF086  }
0x1c: {  	p1 =	slt.u32 s9, $0xF7A;
	s5 =	simm.s32 @!p2 $0x0  }
0x1d: {  	s5 =	simm.s32 @p1 $0x1;
	p0 =	seq.s32 s7, s2  }
0x1e: {  	s7 =	smul.u32 @!p0 $0xF7A, s2;
	p2 =	seq.s32 @!p0 s5, $0x0  }
0x1f: {  	s9 =	smul.u32 $0xF7A, s1;
	s8 =	simm.s32 @!p0 $0x1BF5;
	p2 =	por !p2, p0  }
0x20: {  	[sflag:s8] =	ssyncset.s32 @!p0 $0xFFFFF086;
	s6 =	sadd.s32 @!p0 s3, s7;
	s7 =	simm.s32 @!p0 $0x108  }
0x21: {  	s3 =	sadd.s32 s3, s9;
	s6 =	sadd.s32 @!p0 $0x88, s6;
	s7 =	simm.s32 @p2 $0x1082  }
0x22: {  	[simem:s7], [sflag:s8] =	dma.local @!p0 [hbm:s6], $0xF7A  }
0x23: {  	s9 =	sor.u32 $0xD0000000, s2;
	s6 =	simm.s32 $0x108;
	_ =	swait.ge @!p0 [sflag:s8], $0x0  }
0x24: {  	s3 =	sadd.s32 $0x88, s3;
	s6 =	simm.s32 @!p1 $0x1082;
	[sflag:s4] =	ssyncset.s32 $0xFFFFF086  }
0x25: {  	[simem:s6], [sflag:s4] =	dma.local [hbm:s3], $0xF7A  }
0x26: {  	[smem:$0x3FA0] =	sst s1;
	(tag) =	ssettag s2;
	_ =	strace s9  }
0x27: {  	s1 =	sld [smem:$0x3FB0]  }
0x28: {  	s2 =	sld [smem:$0x3FB1]  }
0x29: {  	s4 =	sld [smem:$0x3FB3]  }
0x2a: {  	p0 =	seq.s32 s5, $0x0;
	s5 =	sld [smem:$0x3FB4]  }
0x2b: {  	s6 =	sld [smem:$0x3FB5]  }
0x2c: {  	s7 =	sld [smem:$0x3FB6]  }
0x2d: {  	s3 =	simm.s32 $0x108;
	s8 =	sld [smem:$0x3FB7]  }
0x2e: {  	s3 =	simm.s32 @!p0 $0x1082;
	s9 =	sld [smem:$0x3FB8]  }
0x2f: {  	lr =	sadd.s32 s0, s3;
	s0 =	sld [smem:$0x3FAF]  }
0x30: {  	s3 =	sld [smem:$0x3FB2]  }
0x31: {  	[smem:$0x3FBB] =	sst s10  }
0x32: {  	s10 =	sld [smem:$0x3FB9];
	_ =	sdelay $0x3  }
0x33: {  	p0 =	seq.s32 s10, $0x1;
	s10 =	sld [smem:$0x3FBB];
	_ =	sdelay $0x3  }
0x34: {  	[smem:$0x3FBB] =	sst s10  }
0x35: {  	s10 =	sld [smem:$0x3FBA];
	_ =	sdelay $0x3  }
0x36: {  	p1 =	seq.s32 s10, $0x1;
	s10 =	sld [smem:$0x3FBB];
	_ =	sdelay $0x3  }
0x37: {  	[smem:$0x3FBB] =	sst s10  }
0x38: {  	s10 =	sld [smem:$0x3FBC]  }
0x39: {  	_ = 	snop;
	(pc) =	sbr.ind lr, $3  }
0x3a: {  	_ = 	snop  }
0x3b: {  	_ = 	snop  }
0x3c: {  	p2 =	seq.s32 s10, $0x1;
	s10 =	sld [smem:$0x3FBB]  }
0x3d: {  	_ =	shalt  }
0x3e: {  	_ =	shalt  }
0x3f: {  	_ =	shalt  }
0x40: {  	_ =	shalt  }
0x41: {  	_ =	shalt  }
0x42: {  	_ =	shalt  }
0x43: {  	_ =	shalt  }
0x44: {  	_ =	shalt  }
0x45: {  	_ =	shalt  }
0x46: {  	_ =	shalt  }
0x47: {  	_ =	shalt  }
0x48: {  	_ =	shalt  }
0x49: {  	_ =	shalt  }
0x4a: {  	_ =	shalt  }
0x4b: {  	_ =	shalt  }
0x4c: {  	_ =	shalt  }
0x4d: {  	_ =	shalt  }
0x4e: {  	_ =	shalt  }
0x4f: {  	_ =	shalt  }
0x50: {  	_ =	shalt  }
0x51: {  	_ =	shalt  }
0x52: {  	_ =	shalt  }
0x53: {  	_ =	shalt  }
0x54: {  	_ =	shalt  }
0x55: {  	_ =	shalt  }
0x56: {  	_ =	shalt  }
0x57: {  	_ =	shalt  }
0x58: {  	_ =	shalt  }
0x59: {  	_ =	shalt  }
0x5a: {  	_ =	shalt  }
0x5b: {  	_ =	shalt  }
0x5c: {  	_ =	shalt  }
0x5d: {  	_ =	shalt  }
0x5e: {  	_ =	shalt  }
0x5f: {  	_ =	shalt  }
0x60: {  	_ =	shalt  }
0x61: {  	_ =	shalt  }
0x62: {  	_ =	shalt  }
0x63: {  	_ =	shalt  }
0x64: {  	_ =	shalt  }
0x65: {  	_ =	shalt  }
0x66: {  	_ =	shalt  }
0x67: {  	_ =	shalt  }
0x68: {  	_ =	shalt  }
0x69: {  	_ =	shalt  }
0x6a: {  	_ =	shalt  }
0x6b: {  	_ =	shalt  }
0x6c: {  	_ =	shalt  }
0x6d: {  	_ =	shalt  }
0x6e: {  	_ =	shalt  }
0x6f: {  	_ =	shalt  }
0x70: {  	_ =	shalt  }
0x71: {  	_ =	shalt  }
0x72: {  	_ =	shalt  }
0x73: {  	_ =	shalt  }
0x74: {  	_ =	shalt  }
0x75: {  	_ =	shalt  }
0x76: {  	_ =	shalt  }
0x77: {  	_ =	shalt  }
0x78: {  	_ =	shalt  }
0x79: {  	_ =	shalt  }
0x7a: {  	_ =	shalt  }
0x7b: {  	_ =	shalt  }
0x7c: {  	_ =	shalt  }
0x7d: {  	_ =	shalt  }
0x7e: {  	_ =	shalt  }
0x7f: {  	_ =	shalt  }
0x80: {  	_ =	shalt  }
0x81: {  	_ =	shalt  }
0x82: {  	_ =	shalt  }
0x83: {  	_ =	shalt  }
0x84: {  	_ =	shalt  }
0x85: {  	_ =	shalt  }
0x86: {  	_ =	shalt  }
0x87: {  	_ =	shalt  }
.Lfunc_end0:
.L_simem_size_0:
called_computation_lowered:
.L_overlay_start_0:
0x88: {  	s2 =	sld [smem:$0x3FD9]  }
0x89: {  	s3 =	sld [smem:$0x3FFE];
	_ =	sdelay $0x1  }
0x8a: {  	s1 =	srdreg.scid  }
0x8b: {  	s0 =	sand.u32 $0x1, s1  }
0x8c: {  	s18 =	sshll.u32 s0, $0xA;
	s2 =	sadd.s32 s3, s2  }
0x8d: {  	s2 =	sadd.s32 s2, s18  }
0x8e: {  	[smem:$0x3FC7] =	sst s2  }
0x8f: {  	_ = 	snop  }
0x90: {  	s2 =	sld [smem:$0x3FC9]  }
0x91: {  	s19 =	sld [smem:$0x3FD0];
	(tm) =	ssettm $0x1  }
0x92: {  	s4 =	sld [smem:$0x3FFB];
	_ =	sdelay $0x3  }
0x93: {  	_ =	strace s4  }
0x94: {  	s4 =	sld [smem:$0x3FFC];
	_ =	sdelay $0x3  }
0x95: {  	_ =	strace s4  }
0x96: {  	s4 =	sld [smem:$0x3FFD];
	_ =	sdelay $0x3  }
0x97: {  	_ =	strace s4  }
0x98: {  	_ =	strace $0x8FFFFFFF  }
0x99: {  	s20 =	sld [smem:$0x3FDB];
	_ =	sdelay $0x1  }
0x9a: {  	s5 =	simm.s32 $_scs_section_size  }
0x9b: {  	s6 =	simm.s32 $_size__tile_overlayer_lowered;
	s7 =	simm.s32 $_tile_overlayer_lowered  }
0x9c: {  	s23 =	simm.s32 $0x1BFF;
	s22 =	sshll.u32 s7, $0x1;
	s4 =	sadd.s32 s5, s20  }
0x9d: {  	s8 =	simm.s32 $0x0;
	s21 =	sshll.u32 s6, $0x1;
	s6 =	sadd.s32 s22, s4  }
0x9e: {  	[timem:s8], [sflag:s23] =	dma.local [hbm:s6], s21  }
0x9f: {  	_ =	swait.ge [sflag:s23], s21  }
0xa0: {  	s5 =	ssub.s32 $0x0, s21;
	[sflag:s23] =	ssyncset.done $0x0  }
0xa1: {  	[sflag:s23] =	ssyncadd.s32 s5;
	_ =	sdelay $0x1  }
0xa2: {  	s24 =	simm.s32 $0x1B8B  }
0xa3: {  	_ =	swait.ge [sflag:s24], $0x1  }
0xa4: {  	[sflag:s24] =	ssyncset.done $0x0  }
0xa5: {  	s25 =	simm.s32 $0x1B8E;
	[sflag:s24] =	ssyncadd.s32 $0xFFFFFFFF  }
0xa6: {  	s26 =	simm.s32 $execute0_lowered;
	[smem:$0x3FD2] =	sst s25  }
0xa7: {  	s5 =	sshll.u32 s26, $0x1;
	_ =	strace $0x80000046;
	[dreg:$0x1] =	wrdreg $0xFFFFFFFF  }
0xa8: {  	s28 =	simm.s32 $_size_execute0_lowered;
	s4 =	sadd.s32 s4, s5;
	[dreg:$0x0] =	wrdreg $0x0  }
0xa9: {  	s5 =	sshll.u32 s28, $0x1;
	[dreg:$0x2] =	wrdreg s4  }
0xaa: {  	[dreg:$0x3] =	wrdreg s5  }
0xab: {  	[dreg:$0x4] =	wrdreg $0xC0  }
0xac: {  	_ =	task [dreg:s8], $0x5FFFF  }
0xad: {  	[dreg:$0x1] =	wrdreg $0xFFFFFFFF  }
0xae: {  	[dreg:$0x0] =	wrdreg $0x60  }
0xaf: {  	[dreg:$0x2] =	wrdreg s2  }
0xb0: {  	[dreg:$0x3] =	wrdreg s19  }
0xb1: {  	[dreg:$0x4] =	wrdreg $0x9  }
0xb2: {  	_ =	task.clear_ibuf [dreg:s8], $0x5FFFF;
	_ =	strace $0x90000046  }
0xb3: {  	s29 =	simm.s32 $0x9;
	_ =	strace $0x80000048  }
0xb4: {  	_ =	swait.ge [sflag:s29], $0x1  }
0xb5: {  	[sflag:s29] =	ssyncadd.s32 $0xFFFFFFFF  }
0xb6: {  	_ =	strace $0x90000048  }
0xb7: {  	_ =	sfence  }
0xb8: {  	s30 =	sld [smem:$0x0];
	_ =	sdelay $0x2  }
0xb9: {  	s31 =	sshll.u32 s1, $0xD;
	s1 =	sshrl.u32 s1, $0x2  }
0xba: {  	s3 =	sand.u32 $0x4000, s31;
	s1 =	sadd.s32 s1, s30  }
0xbb: {  	s0 =	sor.u32 s3, s0;
	s1 =	sshll.u32 s1, $0x11  }
0xbc: {  	s0 =	sor.u32 s1, s0  }
0xbd: {  	s0 =	sadd.s32 $0x8F2B, s0  }
0xbe: {  	[sflag:s0] =	ssyncadd.remote.s32 $0x1  }
0xbf: {  	_ =	sfence.sel $0xFFFF  }
0xc0: {  	[dreg:$0x0] =	wrdreg $0xFFFFFFFF;
	(pc) =	sbr.abs _section_cstart, $3  }
0xc1: {  	[dreg:$0x1] =	wrdreg $0xFFFFFFFF  }
0xc2: {  	_ =	task.clear_ibuf [dreg:s8], $0x2FFFF;
	_ =	strace $0x9FFFFFFF  }
0xc3: {  	(tm) =	ssettm $0x7FFFFFFF  }
tec
execute0_lowered:
.L_overlay_start_1:
0x0: {  	(tag) =	ssettag $0x1  }
0x1: {  	s1 =	rddreg [dreg:$0x0]  }
0x2: {  	s0 =	rddreg [dreg:$0x1]  }
0x3: {  	s10 =	stileid.u32;
	s3 =	srdreg.scid;
	s2 =	simm.s32 $0x0  }
0x4: {  	s28 =	simm.s32 $0x2;
	s30 =	simm.s32 $0x0;
	s4 =	sshll.u32 s10, $0x1  }
0x5: {  	s5 =	sand.u32 $0x1, s3;
	[smem:$0x7FF] =	sst s2;
	s14 =	sshll.u32 s10, $0xB  }
0x6: {  	p0 =	slt.u32 s10, $0x2;
	s21 =	sand.u32 $0x1, s10;
	s12 =	sand.u32 $0x2, s4  }
0x7: {  	s13 =	ssub.s32 $0x2, s5;
	_ =	strace $0x80000047;
	s8 =	sand.u32 $0x7000, s14  }
0x8: {  	s22 =	smul.u32 $0xF42800, s21;
	s3 =	sor.u32 s5, s12;
	s7 =	sshrl.u32 s13, $0x1  }
0x9: {  	s6 =	smul.u32 $0x7A1400, s3;
	s3 =	simm.s32 $0xF5;
	s4 =	ssub.s32 s13, s7  }
0xa: {  	s5 =	smul.u32 $0x7A1400, s5;
	s3 =	simm.s32 @!p0 $0xF4;
	s4 =	smax.u32 s4, $0x1  }
0xb: {  	s6 =	sadd.s32 s8, s6;
	s20 =	sand.u32 $0x5, s3;
	[dreg:$0x8] =	wrdreg s4  }
0xc: {  	s23 =	sadd.s32 $0x1, s3;
	s4 =	sadd.s32 s5, s22;
	s24 =	sadd.s32 $0x3, s3  }
0xd: {  	s25 =	sand.u32 $0x1, s3;
	s29 =	sadd.s32 $0xFFFFFFFF, s3;
	s15 =	sadd.s32 $0x8000, s6  }
0xe: {  	s12 =	sshrl.u32 s6, $0x3;
	s9 =	sadd.s32 $0x10000, s6;
	s17 =	sadd.s32 $0x18000, s6  }
0xf: {  	s18 =	sadd.s32 $0x20000, s6;
	s6 =	sadd.s32 $0x28000, s6;
	s11 =	sadd.s32 $0x9, s20  }
0x10: {  	s4 =	sadd.s32 s8, s4;
	s5 =	sand.u32 $0x7, s24;
	s22 =	sadd.s32 $0xB, s25  }
0x11: {  	s7 =	sshrl.u32 s15, $0x3;
	s15 =	sadd.s32 s1, s12;
	s16 =	sshrl.u32 s9, $0x3  }
0x12: {  	s9 =	sshrl.u32 s18, $0x3;
	s6 =	sshrl.u32 s6, $0x3;
	s12 =	sadd.s32 s0, s12  }
0x13: {  	s8 =	sadd.s32 $0x40000, s4;
	s18 =	sadd.s32 $0x9, s5;
	s4 =	sadd.s32 $0x10000, s4  }
0x14: {  	s7 =	sadd.s32 s1, s7;
	s19 =	sadd.s32 s1, s9;
	s6 =	sadd.s32 s1, s6  }
0x15: {  	s13 =	sadd.s32 $0x6000, s15;
	s14 =	sadd.s32 $0x1000, s12;
	s10 =	smov.u32 s15  }
0x16: {  	s15 =	sadd.s32 $0x7000, s15;
	s26 =	sshrl.u32 s8, $0x3;
	[dreg:$0x3] =	wrdreg s7  }
0x17: {  	s31 =	sshrl.u32 s4, $0x3;
	s7 =	sadd.s32 s1, s16;
	[dreg:$0x6] =	wrdreg s19  }
0x18: {  	[dreg:$0x7] =	wrdreg s6;
	s16 =	sand.u32 $0x7, s23;
	s19 =	sadd.s32 $0x9, s25  }
0x19: {  	s5 =	sadd.s32 s26, s1;
	s24 =	sadd.s32 s31, s0;
	s25 =	sadd.s32 $0xFFFFFFFE, s3  }
0x1a: {  	s26 =	simm.s32 $0x1000;
	[dreg:$0x4] =	wrdreg s7;
	s7 =	sshrl.u32 s17, $0x3  }
0x1b: {  	s0 =	simm.s32 $0x1;
	s16 =	sadd.s32 $0x9, s16;
	s7 =	sadd.s32 s1, s7  }
0x1c: {  	s1 =	sand.u32 $0x7, s29;
	[dreg:$0x5] =	wrdreg s7;
	s7 =	sand.u32 $0x3, s23  }
0x1d: {  	s17 =	sadd.s32 $0xB, s20;
	s23 =	sadd.s32 $0x9, s1;
	s21 =	sadd.s32 $0x9, s7  }
.LBB2_1:
0x1e: {  	[tilespmem:s2], [sflag:$0x1] =	stream.linear.gather [hbm4b:s10+s2], $0x1000, $0x38;
	[tilespmem:$0x8000] =	vst v63  }
0x1f: {  	s1 =	rddreg [dreg:$0x3]  }
0x20: {  	[tilespmem:s26], [sflag:$0x2] =	stream.linear.gather [hbm4b:s1+s2], $0x1000, $0x38;
	[tilespmem:$0x8000] =	vst v63  }
0x21: {  	s6 =	rddreg [dreg:$0x4];
	s4 =	simm.s32 $0x2000  }
0x22: {  	[tilespmem:s4], [sflag:$0x3] =	stream.linear.gather [hbm4b:s6+s2], $0x1000, $0x38;
	[tilespmem:$0x8000] =	vst v63  }
0x23: {  	s7 =	rddreg [dreg:$0x5];
	s8 =	simm.s32 $0x3000  }
0x24: {  	[tilespmem:s8], [sflag:$0x4] =	stream.linear.gather [hbm4b:s7+s2], $0x1000, $0x38;
	[tilespmem:$0x8000] =	vst v63  }
0x25: {  	s9 =	rddreg [dreg:$0x6];
	s20 =	simm.s32 $0x4000  }
0x26: {  	[tilespmem:s20], [sflag:$0x5] =	stream.linear.gather [hbm4b:s9+s2], $0x1000, $0x38;
	[tilespmem:$0x8000] =	vst v63  }
0x27: {  	s4 =	rddreg [dreg:$0x7];
	s6 =	simm.s32 $0x5000  }
0x28: {  	[tilespmem:s6], [sflag:$0x6] =	stream.linear.gather [hbm4b:s4+s2], $0x1000, $0x38;
	[tilespmem:$0x8000] =	vst v63  }
0x29: {  	_ =	swait.ge [sflag:s0], $0x1000  }
0x2a: {  	[sflag:s0] =	ssyncset.done $0x0  }
0x2b: {  	[sflag:s0] =	ssyncadd.s32 $0xFFFFF000  }
0x2c: {  	[hbm4b:s12+s2] =	stream.linear.scatter [tilespmem:s2], [sflag:$0x9], $0x1000, $0x38;
	[tilespmem:$0x8000] =	vst v63  }
0x2d: {  	s7 =	simm.s32 $0x6000  }
0x2e: {  	[tilespmem:s7], [sflag:$0x7] =	stream.linear.gather [hbm4b:s13+s2], $0x1000, $0x38;
	[tilespmem:$0x8000] =	vst v63  }
0x2f: {  	s31 =	simm.s32 $0x1;
	p0 =	sle.u32 s3, $0x8;
	_ =	swait.ge [sflag:s28], $0x1000  }
0x30: {  	p1 =	sne.s32 s25, $0x1;
	s9 =	simm.s32 $0x2;
	[sflag:s28] =	ssyncset.done $0x0  }
0x31: {  	s1 =	sand.u32 $0x7, s9;
	s6 =	simm.s32 $0x8;
	[sflag:s28] =	ssyncadd.s32 $0xFFFFF000  }
0x32: {  	[hbm4b:s14+s2] =	stream.linear.scatter [tilespmem:s26], [sflag:$0xA], $0x1000, $0x38;
	[tilespmem:$0x8000] =	vst v63  }
0x33: {  	s8 =	simm.s32 $0x7000;
	s20 =	sadd.s32 $0x1, s1;
	s4 =	sand.u32 @!p0 $0x7, s6  }
0x34: {  	[tilespmem:s8], [sflag:$0x8] =	stream.linear.gather [hbm4b:s15+s2], $0x1000, $0x38;
	[tilespmem:$0x8000] =	vst v63  }
0x35: {  	s29 =	sadd.s32 $0x1000, s5;
	s6 =	sshll.u32 @!p0 s4, $0xC;
	_ =	swait.ge [sflag:s20], $0x1000  }
.Ltmp0:
0x36: {  	s7 =	sshll.u32 s1, $0xC;
	[sflag:s20] =	ssyncset.done $0x0;
	(pc) =	sbr.rel @!p1 .LBB2_3-.Ltmp0, $4  }
0x37: {  	s1 =	sadd.s32 $0x9, s1;
	s8 =	sadd.s32 @!p0 $0x9, s4;
	[sflag:s20] =	ssyncadd.s32 $0xFFFFF000  }
0x38: {  	[hbm4b:s24+s2] =	stream.linear.scatter [tilespmem:s7], [sflag:s1], $0x1000, $0x38;
	[tilespmem:$0x8000] =	vst v63  }
0x39: {  	s20 =	smov.u32 s5;
	s7 =	sadd.s32 @!p0 $0x1, s4;
	_ =	swait.ge @!p0 [sflag:s8], $0x1000  }
0x3a: {  	s1 =	sadd.s32 $0x1000, s24;
	s4 =	simm.s32 @!p0 $0x0;
	[sflag:s8] =	ssyncset.done @!p0 $0x0  }
.LBB2_2:
0x3b: {  	s9 =	sadd.s32 $0x2, s31  }
0x3c: {  	[sflag:s8] =	ssyncadd.s32 @!p0 $0xFFFFF000;
	s8 =	smov.u32 s31;
	s31 =	sadd.s32 $0x1, s31  }
0x3d: {  	[tilespmem:s6], [sflag:s7] =	stream.linear.gather @!p0 [hbm4b:s20+s4], $0x1000, $0x38;
	[tilespmem:$0x8000] =	vst v63  }
0x3e: {  	s4 =	sand.u32 $0x7, s9;
	p1 =	sne.s32 s25, s31;
	s20 =	smov.u32 s29  }
0x3f: {  	s6 =	sadd.s32 $0x1, s4  }
0x40: {  	s7 =	sadd.s32 $0x8, s8;
	s8 =	sshll.u32 s4, $0xC;
	_ =	swait.ge [sflag:s6], $0x1000  }
0x41: {  	p0 =	sge.u32 s7, s3;
	s4 =	sadd.s32 $0x9, s4;
	[sflag:s6] =	ssyncset.done $0x0  }
.Ltmp1:
0x42: {  	s7 =	sand.u32 @!p0 $0x7, s7;
	[sflag:s6] =	ssyncadd.s32 $0xFFFFF000;
	(pc) =	sbr.rel @p1 .LBB2_2-.Ltmp1, $4  }
0x43: {  	[hbm4b:s1+s2] =	stream.linear.scatter [tilespmem:s8], [sflag:s4], $0x1000, $0x38;
	[tilespmem:$0x8000] =	vst v63  }
0x44: {  	s6 =	sshll.u32 @!p0 s7, $0xC;
	s8 =	sadd.s32 @!p0 $0x9, s7;
	s7 =	sadd.s32 @!p0 $0x1, s7  }
0x45: {  	s1 =	sadd.s32 $0x1000, s1;
	_ =	swait.ge @!p0 [sflag:s8], $0x1000  }
0x46: {  	s29 =	sadd.s32 $0x1000, s29;
	s4 =	simm.s32 @!p0 $0x0;
	[sflag:s8] =	ssyncset.done @!p0 $0x0  }
.LBB2_3:
0x47: {  	[sflag:s8] =	ssyncadd.s32 @!p0 $0xFFFFF000  }
0x48: {  	[tilespmem:s6], [sflag:s7] =	stream.linear.gather @!p0 [hbm4b:s20+s4], $0x1000, $0x38;
	[tilespmem:$0x8000] =	vst v63  }
0x49: {  	_ =	swait.ge [sflag:s11], $0x1000  }
0x4a: {  	[sflag:s11] =	ssyncset.done $0x0  }
0x4b: {  	[sflag:s11] =	ssyncadd.s32 $0xFFFFF000  }
0x4c: {  	_ =	swait.ge [sflag:s16], $0x1000  }
0x4d: {  	[sflag:s16] =	ssyncset.done $0x0  }
0x4e: {  	[sflag:s16] =	ssyncadd.s32 $0xFFFFF000  }
0x4f: {  	_ =	swait.ge [sflag:s17], $0x1000  }
0x50: {  	[sflag:s17] =	ssyncset.done $0x0  }
0x51: {  	[sflag:s17] =	ssyncadd.s32 $0xFFFFF000  }
0x52: {  	_ =	swait.ge [sflag:s18], $0x1000  }
0x53: {  	[sflag:s18] =	ssyncset.done $0x0  }
0x54: {  	[sflag:s18] =	ssyncadd.s32 $0xFFFFF000  }
0x55: {  	_ =	swait.ge [sflag:s19], $0x1000  }
0x56: {  	[sflag:s19] =	ssyncset.done $0x0  }
0x57: {  	[sflag:s19] =	ssyncadd.s32 $0xFFFFF000  }
0x58: {  	_ =	swait.ge [sflag:s21], $0x1000  }
0x59: {  	[sflag:s21] =	ssyncset.done $0x0  }
0x5a: {  	[sflag:s21] =	ssyncadd.s32 $0xFFFFF000  }
0x5b: {  	_ =	swait.ge [sflag:s22], $0x1000  }
0x5c: {  	[sflag:s22] =	ssyncset.done $0x0  }
0x5d: {  	[sflag:s22] =	ssyncadd.s32 $0xFFFFF000  }
0x5e: {  	_ =	swait.ge [sflag:s23], $0x1000  }
0x5f: {  	s30 =	sadd.s32 $0x1, s30;
	s1 =	rddreg [dreg:$0x8]  }
0x60: {  	p0 =	sne.s32 s30, s1  }
.Ltmp2:
0x61: {  	_ = 	snop;
	(pc) =	sbr.rel @p0 .LBB2_1-.Ltmp2, $3  }
0x62: {  	_ =	sdelay $0x1  }
0x63: {  	[sflag:s23] =	ssyncset.done $0x0  }
0x64: {  	[sflag:s23] =	ssyncadd.s32 $0xFFFFF000  }
0x65: {  	_ =	sfence.sel $0x180000  }
0x66: {  	[bflag:$0x0] =	sbarrier.arrive $0xFFFF  }
0x67: {  	_ =	strace $0x90000047  }
0x68: {  	s0 =	stileid.u32;
	[bflag:$0x2] =	sbarrier.arrive $0xFFFF  }
0x69: {  	p0 =	sne.s32 s0, $0x0;
	s0 =	rddreg [dreg:$0x2]  }
0x6a: {  	s0 =	sadd.s32 @!p0 $0x100000, s0  }
0x6b: {  	[sflag:s0] =	ssyncadd.tile.s32 @!p0 $0x1;
	_ =	shalt  }
.Lfunc_end2:
_tile_overlayer_lowered:
.L_overlay_start_2:
0x6c: {  	(tag) =	ssettag $0x2  }
0x6d: {  	s0 =	rddreg [dreg:$0x0];
	s2 =	stileid.u32  }
0x6e: {  	s1 =	rddreg [dreg:$0x1];
	p0 =	sne.s32 s2, $0x0  }
0x6f: {  	s3 =	rddreg [dreg:$0x2];
	[bflag:$0x3] =	sbarrier.arrive $0xFFFF;
	s2 =	simm.s32 @!p0 $0x1C11  }
0x70: {  	[timem:s3], [sflag:s2] =	dma.local @!p0 [hbm:s0], s1  }
0x71: {  	s0 =	simm.s32 @!p0 $0x11  }
0x72: {  	_ =	swait.ge @!p0 [sflag:s0], s1  }
0x73: {  	s1 =	ssub.s32 @!p0 $0x0, s1;
	[sflag:s0] =	ssyncset.done @!p0 $0x0  }
0x74: {  	[sflag:s0] =	ssyncadd.s32 @!p0 s1  }
0x75: {  	[bflag:$0x3] =	sbarrier.arrive $0xFFFF  }
0x76: {  	_ =	shalt  }

</sc_bundles>
